<compile_context>
chip_gen: v7x
topology: tpu7x:2x2x1
jax: 0.10.2.dev20260603
libtpu: 0.0.44.dev20260713+nightly
codegen_flags: <defaults>
</compile_context>

<pallas_src>
import functools

import jax
import jax.numpy as jnp
from jax import lax
from jax.experimental import pallas as pl
from jax.experimental.pallas import tpu as pltpu
from jax.experimental.pallas import tpu_sc as plsc

L, T, D = 32, 1024, 1024
LANES = 16
NCHUNK = T // LANES


@functools.partial(
    pl.kernel,
    out_type=jax.ShapeDtypeStruct((L, LANES), jnp.int32),
    mesh=plsc.VectorSubcoreMesh(core_axis_name="c", subcore_axis_name="s",
                                num_cores=2, num_subcores=16),
    scratch_types=[
        pltpu.VMEM((T,), jnp.int32),
        pltpu.VMEM((LANES,), jnp.int32),
    ],
)
def _sc_slot_scan(bstep_hbm, slots_hbm, row_v, out_v):
    wid = lax.axis_index("s") * 2 + lax.axis_index("c")
    pltpu.sync_copy(bstep_hbm.at[wid], row_v)

    iota_f = lax.iota(jnp.int32, LANES).astype(jnp.float32)
    bigf = jnp.float32(1e9)

    def body(i, carry):
        acc_occ, acc_emp = carry
        v = row_v[pl.ds(i * LANES, LANES)]
        gidx_f = iota_f + jnp.float32(i * LANES)
        enc = v.astype(jnp.float32) * jnp.float32(T) + gidx_f
        acc_occ = jnp.minimum(acc_occ, enc)
        acc_emp = jnp.minimum(acc_emp, jnp.where(v == -1, gidx_f, bigf))
        return acc_occ, acc_emp

    acc_occ, acc_emp = lax.fori_loop(
        0, NCHUNK, body,
        (jnp.full((LANES,), 1e9, jnp.float32),
         jnp.full((LANES,), 1e9, jnp.float32)))
    m_occ = acc_occ[0]
    m_emp = acc_emp[0]
    for j in range(1, LANES):
        m_occ = jnp.minimum(m_occ, acc_occ[j])
        m_emp = jnp.minimum(m_emp, acc_emp[j])
    slot_occ = m_occ.astype(jnp.int32) & (T - 1)
    slot = jnp.where(m_emp < bigf, m_emp.astype(jnp.int32), slot_occ)

    out_v[...] = jnp.full((LANES,), 0, jnp.int32) + slot
    pltpu.sync_copy(out_v, slots_hbm.at[wid])


def _scatter_kernel(layer_ref, step_ref, ec_ref, slot_ref, ev_ref, bev_in_ref,
                    bstep_ref, bec_ref, bev_out_ref, bstep_out_ref,
                    bec_out_ref, sem):
    del bev_in_ref
    layer = layer_ref[0]
    step = step_ref[0]
    ec = ec_ref[0]
    slot = slot_ref[layer, 0]

    row_iota = jax.lax.broadcasted_iota(jnp.int32, (L, T), 0)
    col_iota = jax.lax.broadcasted_iota(jnp.int32, (L, T), 1)
    hit = (row_iota == layer) & (col_iota == slot)
    bstep_out_ref[...] = jnp.where(hit, step, bstep_ref[...])
    bec_out_ref[...] = jnp.where(hit, ec, bec_ref[...])

    copy = pltpu.make_async_copy(ev_ref.at[0], bev_out_ref.at[layer, slot], sem)
    copy.start()
    copy.wait()


def kernel(layer, step, evidence, event_count, bank_evidence, bank_step,
           bank_event_count):
    layer_s = jnp.asarray(layer, jnp.int32).reshape(1)
    step_s = jnp.asarray(step, bank_step.dtype).reshape(1)
    ec_s = jnp.asarray(event_count, bank_event_count.dtype).reshape(1)
    ev2 = evidence.astype(bank_evidence.dtype).reshape(1, D)

    slots = _sc_slot_scan(bank_step)
    bank_evidence, slots = jax.lax.optimization_barrier((bank_evidence, slots))

    return pl.pallas_call(
        _scatter_kernel,
        out_shape=(
            jax.ShapeDtypeStruct(bank_evidence.shape, bank_evidence.dtype),
            jax.ShapeDtypeStruct(bank_step.shape, bank_step.dtype),
            jax.ShapeDtypeStruct(bank_event_count.shape, bank_event_count.dtype),
        ),
        in_specs=[
            pl.BlockSpec(memory_space=pltpu.MemorySpace.SMEM),
            pl.BlockSpec(memory_space=pltpu.MemorySpace.SMEM),
            pl.BlockSpec(memory_space=pltpu.MemorySpace.SMEM),
            pl.BlockSpec(memory_space=pltpu.MemorySpace.SMEM),
            pl.BlockSpec(memory_space=pltpu.MemorySpace.VMEM),
            pl.BlockSpec(memory_space=pltpu.MemorySpace.HBM),
            pl.BlockSpec(memory_space=pltpu.MemorySpace.VMEM),
            pl.BlockSpec(memory_space=pltpu.MemorySpace.VMEM),
        ],
        out_specs=(
            pl.BlockSpec(memory_space=pltpu.MemorySpace.HBM),
            pl.BlockSpec(memory_space=pltpu.MemorySpace.VMEM),
            pl.BlockSpec(memory_space=pltpu.MemorySpace.VMEM),
        ),
        input_output_aliases={5: 0},
        scratch_shapes=[pltpu.SemaphoreType.DMA],
    )(layer_s, step_s, ec_s, slots, ev2, bank_evidence, bank_step,
      bank_event_count)

# --- scband reference (transcript-rebuilt; emitter-appended) ---
"""Pipeline reference for scband-criticality-distillation-6717328851312 (READ-ONLY COPY).

The authoritative reference and input builder live on the scoring server;
editing this copy changes nothing except your own understanding.
"""

import jax, jax.numpy as jnp
import numpy as np

L, T, D = 32, 1024, 1024

def setup_inputs(seed: int = 0) -> dict:
    key = jax.random.key(seed)
    k1, k2, k3, k4 = jax.random.split(key, 4)
    # Module state buffers sized per init_kwargs (num_layers=32, trace_ttl_steps=1024, dim=1024).
    # bank_step is initialized with a mix of empty (-1) and occupied (>=0) slots so both
    # the first-empty-slot path and the evict-oldest path are representative.
    bank_evidence = jax.random.normal(k1, (L, T, D), dtype=jnp.float32)
    bank_step = jax.random.randint(k2, (L, T), -1, 1000)
    bank_event_count = jax.random.uniform(k3, (L, T), dtype=jnp.float32)
    evidence = jax.random.normal(k4, (D,), dtype=jnp.float32)
    return {
        "layer": 5,
        "step": 100,
        "evidence": evidence,
        "event_count": 3,
        "bank_evidence": bank_evidence,
        "bank_step": bank_step,
        "bank_event_count": bank_event_count,
    }

def reference(layer, step, evidence, event_count, bank_evidence, bank_step, bank_event_count):
    # Slot selection: smallest empty slot (bank_step == -1) if any, else evict slot
    # with the oldest (lowest) bank_step value.
    slots = bank_step[layer]
    empty_mask = slots == -1
    has_empty = jnp.any(empty_mask)
    first_empty = jnp.argmax(empty_mask)  # smallest index where mask is True
    oldest = jnp.argmin(slots)
    slot = jnp.where(has_empty, first_empty, oldest)
    # Scatter-overwrite the selected (layer, slot) entry in each state buffer.
    new_bank_evidence = bank_evidence.at[layer, slot].set(evidence.astype(bank_evidence.dtype))
    new_bank_step = bank_step.at[layer, slot].set(jnp.asarray(step, dtype=bank_step.dtype))
    new_bank_event_count = bank_event_count.at[layer, slot].set(jnp.asarray(event_count, dtype=bank_event_count.dtype))
    return (new_bank_evidence, new_bank_step, new_bank_event_count)

if __name__ == "__main__":
    import jax
    _d = setup_inputs()
    print(jax.jit(kernel)(*tuple(_d.values())))

</pallas_src>

<mosaic_0001>
#map = affine_map<(d0, d1) -> (0, 0)>
module attributes {stable_mosaic.version = 14 : i64} {
  func.func @_sc_slot_scan(%arg0: i32, %arg1: i32, %arg2: memref<32x1024xi32, #tpu.memory_space<hbm>>, %arg3: memref<32x16xi32, #tpu.memory_space<hbm>>, %arg4: memref<1024xi32, #tpu.memory_space<vmem>>, %arg5: memref<16xi32, #tpu.memory_space<vmem>>) attributes {dimension_semantics = [#tpu.dimension_semantics<core_parallel>, #tpu.dimension_semantics<subcore_parallel>], iteration_bounds = array<i64: 2, 16>, scalar_prefetch = 0 : i64, scratch_operands = 2 : i64, tpu.core_type = #tpu.core_type<sc_vector_subcore>, window_params = [{transform_indices = #map}, {transform_indices = #map}]} {
    %mul3A = arith.constant 2 : i32
    %mul3A_0 = arith.muli %arg1, %mul3A : i32
    %add3A = arith.addi %mul3A_0, %arg0 : i32
    "tpu.region"() ({
      %run_scoped3A = tpu.sem_alloc : memref<!tpu.dma_semaphore, #tpu.memory_space<semaphore_mem>>
      %dma_start3A = arith.constant 0 : i32
      %dma_start3A_112 = tpu.memref_slice %arg2[%add3A, %dma_start3A] : memref<32x1024xi32, #tpu.memory_space<hbm>> -> memref<1x1024xi32, #tpu.memory_space<hbm>>
      %dma_start3A_113 = tpu.memref_squeeze %dma_start3A_112 : memref<1x1024xi32, #tpu.memory_space<hbm>> -> memref<1024xi32, #tpu.memory_space<hbm>>
      %dma_start3A_114 = arith.constant 0 : i32
      %dma_start3A_115 = tpu.memref_slice %arg2[%add3A, %dma_start3A_114] : memref<32x1024xi32, #tpu.memory_space<hbm>> -> memref<1x1024xi32, #tpu.memory_space<hbm>>
      %dma_start3A_116 = tpu.memref_squeeze %dma_start3A_115 : memref<1x1024xi32, #tpu.memory_space<hbm>> -> memref<1024xi32, #tpu.memory_space<hbm>>
      tpu.enqueue_dma source(%dma_start3A_116 : memref<1024xi32, #tpu.memory_space<hbm>>) target(%arg4 : memref<1024xi32, #tpu.memory_space<vmem>>) target_semaphore(%run_scoped3A : memref<!tpu.dma_semaphore, #tpu.memory_space<semaphore_mem>>)
      %dma_wait3A = arith.constant 0 : i32
      %dma_wait3A_117 = tpu.memref_slice %arg2[%add3A, %dma_wait3A] : memref<32x1024xi32, #tpu.memory_space<hbm>> -> memref<1x1024xi32, #tpu.memory_space<hbm>>
      %dma_wait3A_118 = tpu.memref_squeeze %dma_wait3A_117 : memref<1x1024xi32, #tpu.memory_space<hbm>> -> memref<1024xi32, #tpu.memory_space<hbm>>
      %dma_wait3A_119 = arith.constant 0 : i32
      %dma_wait3A_120 = tpu.memref_slice %arg2[%add3A, %dma_wait3A_119] : memref<32x1024xi32, #tpu.memory_space<hbm>> -> memref<1x1024xi32, #tpu.memory_space<hbm>>
      %dma_wait3A_121 = tpu.memref_squeeze %dma_wait3A_120 : memref<1x1024xi32, #tpu.memory_space<hbm>> -> memref<1024xi32, #tpu.memory_space<hbm>>
      tpu.wait_dma2 semaphore(%run_scoped3A : memref<!tpu.dma_semaphore, #tpu.memory_space<semaphore_mem>>) src(%dma_wait3A_121 : memref<1024xi32, #tpu.memory_space<hbm>>) dst(%arg4 : memref<1024xi32, #tpu.memory_space<vmem>>)
      tpu.yield
    }) : () -> ()
    %iota3A = tpu.iota {dimensions = array<i32: 0>} : vector<16xi32>
    %convert_element_type3A = arith.sitofp %iota3A : vector<16xi32> to vector<16xf32>
    %broadcast_in_dim3A = arith.constant 1.000000e+09 : f32
    %broadcast_in_dim3A_1 = vector.broadcast %broadcast_in_dim3A : f32 to vector<16xf32>
    %broadcast_in_dim3A_2 = arith.constant 1.000000e+09 : f32
    %broadcast_in_dim3A_3 = vector.broadcast %broadcast_in_dim3A_2 : f32 to vector<16xf32>
    %scan3A = arith.constant 1.000000e+09 : f32
    %scan3A_4 = arith.constant 0 : i32
    %scan3A_5 = arith.constant 64 : i32
    %scan3A_6 = arith.addi %scan3A_4, %scan3A_5 : i32
    %scan3A_7 = arith.constant 1 : i32
    %scan3A_8:2 = scf.for %scan3A_112 = %scan3A_4 to %scan3A_6 step %scan3A_7 iter_args(%scan3A_113 = %broadcast_in_dim3A_1, %scan3A_114 = %broadcast_in_dim3A_3) -> (vector<16xf32>, vector<16xf32>)  : i32 {
      %mul3A_115 = arith.constant 16 : i32
      %mul3A_116 = arith.muli %scan3A_112, %mul3A_115 : i32
      %get3A = arith.index_cast %mul3A_116 : i32 to index
      %get3A_117 = tpu.vector_load %arg4[%get3A] {strides = array<i32>} : memref<1024xi32, #tpu.memory_space<vmem>>, vector<16xi32>,
      %get3A_118 = vector.shape_cast %get3A_117 : vector<16xi32> to vector<16xi32>
      %mul3A_119 = arith.constant 16 : i32
      %mul3A_120 = arith.muli %scan3A_112, %mul3A_119 : i32
      %convert_element_type3A_121 = arith.sitofp %mul3A_120 : i32 to f32
      %add3A_122 = vector.broadcast %convert_element_type3A_121 : f32 to vector<16xf32>
      %add3A_123 = arith.addf %convert_element_type3A, %add3A_122 : vector<16xf32>
      %convert_element_type3A_124 = arith.sitofp %get3A_118 : vector<16xi32> to vector<16xf32>
      %mul3A_125 = arith.constant 1.024000e+03 : f32
      %mul3A_126 = vector.broadcast %mul3A_125 : f32 to vector<16xf32>
      %mul3A_127 = arith.mulf %convert_element_type3A_124, %mul3A_126 : vector<16xf32>
      %add3A_128 = arith.addf %mul3A_127, %add3A_123 : vector<16xf32>
      %min3A_129 = arith.minimumf %scan3A_113, %add3A_128 : vector<16xf32>
      %eq3A = arith.constant -1 : i32
      %eq3A_130 = vector.broadcast %eq3A : i32 to vector<16xi32>
      %eq3A_131 = arith.cmpi eq, %get3A_118, %eq3A_130 : vector<16xi32>
      %broadcast_in_dim3A_132 = vector.broadcast %scan3A : f32 to vector<16xf32>
      %select_n3A_133 = arith.select %eq3A_131, %add3A_123, %broadcast_in_dim3A_132 : vector<16xi1>, vector<16xf32>
      %min3A_134 = arith.minimumf %scan3A_114, %select_n3A_133 : vector<16xf32>
      scf.yield %min3A_129, %min3A_134 : vector<16xf32>, vector<16xf32>
    }
    %scan3A_9 = arith.constant 64 : i32
    %slice3A = vector.extract_strided_slice %scan3A_8#0 {offsets = [0], sizes = [1], strides = [1]} : vector<16xf32> to vector<1xf32>
    %squeeze3A = vector.extract %slice3A[0] : f32 from vector<1xf32>
    %slice3A_10 = vector.extract_strided_slice %scan3A_8#1 {offsets = [0], sizes = [1], strides = [1]} : vector<16xf32> to vector<1xf32>
    %squeeze3A_11 = vector.extract %slice3A_10[0] : f32 from vector<1xf32>
    %slice3A_12 = vector.extract_strided_slice %scan3A_8#0 {offsets = [1], sizes = [1], strides = [1]} : vector<16xf32> to vector<1xf32>
    %squeeze3A_13 = vector.extract %slice3A_12[0] : f32 from vector<1xf32>
    %min3A = arith.minimumf %squeeze3A, %squeeze3A_13 : f32
    %slice3A_14 = vector.extract_strided_slice %scan3A_8#1 {offsets = [1], sizes = [1], strides = [1]} : vector<16xf32> to vector<1xf32>
    %squeeze3A_15 = vector.extract %slice3A_14[0] : f32 from vector<1xf32>
    %min3A_16 = arith.minimumf %squeeze3A_11, %squeeze3A_15 : f32
    %slice3A_17 = vector.extract_strided_slice %scan3A_8#0 {offsets = [2], sizes = [1], strides = [1]} : vector<16xf32> to vector<1xf32>
    %squeeze3A_18 = vector.extract %slice3A_17[0] : f32 from vector<1xf32>
    %min3A_19 = arith.minimumf %min3A, %squeeze3A_18 : f32
    %slice3A_20 = vector.extract_strided_slice %scan3A_8#1 {offsets = [2], sizes = [1], strides = [1]} : vector<16xf32> to vector<1xf32>
    %squeeze3A_21 = vector.extract %slice3A_20[0] : f32 from vector<1xf32>
    %min3A_22 = arith.minimumf %min3A_16, %squeeze3A_21 : f32
    %slice3A_23 = vector.extract_strided_slice %scan3A_8#0 {offsets = [3], sizes = [1], strides = [1]} : vector<16xf32> to vector<1xf32>
    %squeeze3A_24 = vector.extract %slice3A_23[0] : f32 from vector<1xf32>
    %min3A_25 = arith.minimumf %min3A_19, %squeeze3A_24 : f32
    %slice3A_26 = vector.extract_strided_slice %scan3A_8#1 {offsets = [3], sizes = [1], strides = [1]} : vector<16xf32> to vector<1xf32>
    %squeeze3A_27 = vector.extract %slice3A_26[0] : f32 from vector<1xf32>
    %min3A_28 = arith.minimumf %min3A_22, %squeeze3A_27 : f32
    %slice3A_29 = vector.extract_strided_slice %scan3A_8#0 {offsets = [4], sizes = [1], strides = [1]} : vector<16xf32> to vector<1xf32>
    %squeeze3A_30 = vector.extract %slice3A_29[0] : f32 from vector<1xf32>
    %min3A_31 = arith.minimumf %min3A_25, %squeeze3A_30 : f32
    %slice3A_32 = vector.extract_strided_slice %scan3A_8#1 {offsets = [4], sizes = [1], strides = [1]} : vector<16xf32> to vector<1xf32>
    %squeeze3A_33 = vector.extract %slice3A_32[0] : f32 from vector<1xf32>
    %min3A_34 = arith.minimumf %min3A_28, %squeeze3A_33 : f32
    %slice3A_35 = vector.extract_strided_slice %scan3A_8#0 {offsets = [5], sizes = [1], strides = [1]} : vector<16xf32> to vector<1xf32>
    %squeeze3A_36 = vector.extract %slice3A_35[0] : f32 from vector<1xf32>
    %min3A_37 = arith.minimumf %min3A_31, %squeeze3A_36 : f32
    %slice3A_38 = vector.extract_strided_slice %scan3A_8#1 {offsets = [5], sizes = [1], strides = [1]} : vector<16xf32> to vector<1xf32>
    %squeeze3A_39 = vector.extract %slice3A_38[0] : f32 from vector<1xf32>
    %min3A_40 = arith.minimumf %min3A_34, %squeeze3A_39 : f32
    %slice3A_41 = vector.extract_strided_slice %scan3A_8#0 {offsets = [6], sizes = [1], strides = [1]} : vector<16xf32> to vector<1xf32>
    %squeeze3A_42 = vector.extract %slice3A_41[0] : f32 from vector<1xf32>
    %min3A_43 = arith.minimumf %min3A_37, %squeeze3A_42 : f32
    %slice3A_44 = vector.extract_strided_slice %scan3A_8#1 {offsets = [6], sizes = [1], strides = [1]} : vector<16xf32> to vector<1xf32>
    %squeeze3A_45 = vector.extract %slice3A_44[0] : f32 from vector<1xf32>
    %min3A_46 = arith.minimumf %min3A_40, %squeeze3A_45 : f32
    %slice3A_47 = vector.extract_strided_slice %scan3A_8#0 {offsets = [7], sizes = [1], strides = [1]} : vector<16xf32> to vector<1xf32>
    %squeeze3A_48 = vector.extract %slice3A_47[0] : f32 from vector<1xf32>
    %min3A_49 = arith.minimumf %min3A_43, %squeeze3A_48 : f32
    %slice3A_50 = vector.extract_strided_slice %scan3A_8#1 {offsets = [7], sizes = [1], strides = [1]} : vector<16xf32> to vector<1xf32>
    %squeeze3A_51 = vector.extract %slice3A_50[0] : f32 from vector<1xf32>
    %min3A_52 = arith.minimumf %min3A_46, %squeeze3A_51 : f32
    %slice3A_53 = vector.extract_strided_slice %scan3A_8#0 {offsets = [8], sizes = [1], strides = [1]} : vector<16xf32> to vector<1xf32>
    %squeeze3A_54 = vector.extract %slice3A_53[0] : f32 from vector<1xf32>
    %min3A_55 = arith.minimumf %min3A_49, %squeeze3A_54 : f32
    %slice3A_56 = vector.extract_strided_slice %scan3A_8#1 {offsets = [8], sizes = [1], strides = [1]} : vector<16xf32> to vector<1xf32>
    %squeeze3A_57 = vector.extract %slice3A_56[0] : f32 from vector<1xf32>
    %min3A_58 = arith.minimumf %min3A_52, %squeeze3A_57 : f32
    %slice3A_59 = vector.extract_strided_slice %scan3A_8#0 {offsets = [9], sizes = [1], strides = [1]} : vector<16xf32> to vector<1xf32>
    %squeeze3A_60 = vector.extract %slice3A_59[0] : f32 from vector<1xf32>
    %min3A_61 = arith.minimumf %min3A_55, %squeeze3A_60 : f32
    %slice3A_62 = vector.extract_strided_slice %scan3A_8#1 {offsets = [9], sizes = [1], strides = [1]} : vector<16xf32> to vector<1xf32>
    %squeeze3A_63 = vector.extract %slice3A_62[0] : f32 from vector<1xf32>
    %min3A_64 = arith.minimumf %min3A_58, %squeeze3A_63 : f32
    %slice3A_65 = vector.extract_strided_slice %scan3A_8#0 {offsets = [10], sizes = [1], strides = [1]} : vector<16xf32> to vector<1xf32>
    %squeeze3A_66 = vector.extract %slice3A_65[0] : f32 from vector<1xf32>
    %min3A_67 = arith.minimumf %min3A_61, %squeeze3A_66 : f32
    %slice3A_68 = vector.extract_strided_slice %scan3A_8#1 {offsets = [10], sizes = [1], strides = [1]} : vector<16xf32> to vector<1xf32>
    %squeeze3A_69 = vector.extract %slice3A_68[0] : f32 from vector<1xf32>
    %min3A_70 = arith.minimumf %min3A_64, %squeeze3A_69 : f32
    %slice3A_71 = vector.extract_strided_slice %scan3A_8#0 {offsets = [11], sizes = [1], strides = [1]} : vector<16xf32> to vector<1xf32>
    %squeeze3A_72 = vector.extract %slice3A_71[0] : f32 from vector<1xf32>
    %min3A_73 = arith.minimumf %min3A_67, %squeeze3A_72 : f32
    %slice3A_74 = vector.extract_strided_slice %scan3A_8#1 {offsets = [11], sizes = [1], strides = [1]} : vector<16xf32> to vector<1xf32>
    %squeeze3A_75 = vector.extract %slice3A_74[0] : f32 from vector<1xf32>
    %min3A_76 = arith.minimumf %min3A_70, %squeeze3A_75 : f32
    %slice3A_77 = vector.extract_strided_slice %scan3A_8#0 {offsets = [12], sizes = [1], strides = [1]} : vector<16xf32> to vector<1xf32>
    %squeeze3A_78 = vector.extract %slice3A_77[0] : f32 from vector<1xf32>
    %min3A_79 = arith.minimumf %min3A_73, %squeeze3A_78 : f32
    %slice3A_80 = vector.extract_strided_slice %scan3A_8#1 {offsets = [12], sizes = [1], strides = [1]} : vector<16xf32> to vector<1xf32>
    %squeeze3A_81 = vector.extract %slice3A_80[0] : f32 from vector<1xf32>
    %min3A_82 = arith.minimumf %min3A_76, %squeeze3A_81 : f32
    %slice3A_83 = vector.extract_strided_slice %scan3A_8#0 {offsets = [13], sizes = [1], strides = [1]} : vector<16xf32> to vector<1xf32>
    %squeeze3A_84 = vector.extract %slice3A_83[0] : f32 from vector<1xf32>
    %min3A_85 = arith.minimumf %min3A_79, %squeeze3A_84 : f32
    %slice3A_86 = vector.extract_strided_slice %scan3A_8#1 {offsets = [13], sizes = [1], strides = [1]} : vector<16xf32> to vector<1xf32>
    %squeeze3A_87 = vector.extract %slice3A_86[0] : f32 from vector<1xf32>
    %min3A_88 = arith.minimumf %min3A_82, %squeeze3A_87 : f32
    %slice3A_89 = vector.extract_strided_slice %scan3A_8#0 {offsets = [14], sizes = [1], strides = [1]} : vector<16xf32> to vector<1xf32>
    %squeeze3A_90 = vector.extract %slice3A_89[0] : f32 from vector<1xf32>
    %min3A_91 = arith.minimumf %min3A_85, %squeeze3A_90 : f32
    %slice3A_92 = vector.extract_strided_slice %scan3A_8#1 {offsets = [14], sizes = [1], strides = [1]} : vector<16xf32> to vector<1xf32>
    %squeeze3A_93 = vector.extract %slice3A_92[0] : f32 from vector<1xf32>
    %min3A_94 = arith.minimumf %min3A_88, %squeeze3A_93 : f32
    %slice3A_95 = vector.extract_strided_slice %scan3A_8#0 {offsets = [15], sizes = [1], strides = [1]} : vector<16xf32> to vector<1xf32>
    %squeeze3A_96 = vector.extract %slice3A_95[0] : f32 from vector<1xf32>
    %min3A_97 = arith.minimumf %min3A_91, %squeeze3A_96 : f32
    %slice3A_98 = vector.extract_strided_slice %scan3A_8#1 {offsets = [15], sizes = [1], strides = [1]} : vector<16xf32> to vector<1xf32>
    %squeeze3A_99 = vector.extract %slice3A_98[0] : f32 from vector<1xf32>
    %min3A_100 = arith.minimumf %min3A_94, %squeeze3A_99 : f32
    %convert_element_type3A_101 = arith.fptosi %min3A_97 : f32 to i32
    %and3A = arith.constant 1023 : i32
    %and3A_102 = arith.andi %convert_element_type3A_101, %and3A : i32
    %lt3A = arith.constant 1.000000e+09 : f32
    %lt3A_103 = arith.cmpf olt, %min3A_100, %lt3A : f32
    %convert_element_type3A_104 = arith.fptosi %min3A_100 : f32 to i32
    %select_n3A = arith.select %lt3A_103, %convert_element_type3A_104, %and3A_102 : i32
    %broadcast_in_dim3A_105 = arith.constant 0 : i32
    %broadcast_in_dim3A_106 = vector.broadcast %broadcast_in_dim3A_105 : i32 to vector<16xi32>
    %add3A_107 = vector.broadcast %select_n3A : i32 to vector<16xi32>
    %add3A_108 = arith.addi %broadcast_in_dim3A_106, %add3A_107 : vector<16xi32>
    %swap3A = arith.constant 0 : index
    %swap3A_109 = tpu.vector_load %arg5[%swap3A] {strides = array<i32>} : memref<16xi32, #tpu.memory_space<vmem>>, vector<16xi32>,
    %swap3A_110 = vector.shape_cast %swap3A_109 : vector<16xi32> to vector<16xi32>
    %swap3A_111 = vector.shape_cast %add3A_108 : vector<16xi32> to vector<16xi32>
    tpu.vector_store %arg5[%swap3A], %swap3A_111 {strides = array<i32>} : memref<16xi32, #tpu.memory_space<vmem>>, vector<16xi32>,
    "tpu.region"() ({
      %run_scoped3A = tpu.sem_alloc : memref<!tpu.dma_semaphore, #tpu.memory_space<semaphore_mem>>
      %dma_start3A = arith.constant 0 : i32
      %dma_start3A_112 = tpu.memref_slice %arg3[%add3A, %dma_start3A] : memref<32x16xi32, #tpu.memory_space<hbm>> -> memref<1x16xi32, #tpu.memory_space<hbm>>
      %dma_start3A_113 = tpu.memref_squeeze %dma_start3A_112 : memref<1x16xi32, #tpu.memory_space<hbm>> -> memref<16xi32, #tpu.memory_space<hbm>>
      %dma_start3A_114 = arith.constant 0 : i32
      %dma_start3A_115 = tpu.memref_slice %arg3[%add3A, %dma_start3A_114] : memref<32x16xi32, #tpu.memory_space<hbm>> -> memref<1x16xi32, #tpu.memory_space<hbm>>
      %dma_start3A_116 = tpu.memref_squeeze %dma_start3A_115 : memref<1x16xi32, #tpu.memory_space<hbm>> -> memref<16xi32, #tpu.memory_space<hbm>>
      tpu.enqueue_dma source(%arg5 : memref<16xi32, #tpu.memory_space<vmem>>) target(%dma_start3A_116 : memref<16xi32, #tpu.memory_space<hbm>>) target_semaphore(%run_scoped3A : memref<!tpu.dma_semaphore, #tpu.memory_space<semaphore_mem>>)
      %dma_wait3A = arith.constant 0 : i32
      %dma_wait3A_117 = tpu.memref_slice %arg3[%add3A, %dma_wait3A] : memref<32x16xi32, #tpu.memory_space<hbm>> -> memref<1x16xi32, #tpu.memory_space<hbm>>
      %dma_wait3A_118 = tpu.memref_squeeze %dma_wait3A_117 : memref<1x16xi32, #tpu.memory_space<hbm>> -> memref<16xi32, #tpu.memory_space<hbm>>
      %dma_wait3A_119 = arith.constant 0 : i32
      %dma_wait3A_120 = tpu.memref_slice %arg3[%add3A, %dma_wait3A_119] : memref<32x16xi32, #tpu.memory_space<hbm>> -> memref<1x16xi32, #tpu.memory_space<hbm>>
      %dma_wait3A_121 = tpu.memref_squeeze %dma_wait3A_120 : memref<1x16xi32, #tpu.memory_space<hbm>> -> memref<16xi32, #tpu.memory_space<hbm>>
      tpu.wait_dma2 semaphore(%run_scoped3A : memref<!tpu.dma_semaphore, #tpu.memory_space<semaphore_mem>>) src(%arg5 : memref<16xi32, #tpu.memory_space<vmem>>) dst(%dma_wait3A_121 : memref<16xi32, #tpu.memory_space<hbm>>)
      tpu.yield
    }) : () -> ()
    return
  }
}

module attributes {stable_mosaic.version = 14 : i64} {
  func.func @_scatter_kernel(%arg0: memref<1xi32, #tpu.memory_space<smem>>, %arg1: memref<1xi32, #tpu.memory_space<smem>>, %arg2: memref<1xf32, #tpu.memory_space<smem>>, %arg3: memref<32x16xi32, #tpu.memory_space<smem>>, %arg4: memref<1x1024xf32, #tpu.memory_space<vmem>>, %arg5: memref<32x1024x1024xf32, #tpu.memory_space<hbm>>, %arg6: memref<32x1024xi32, #tpu.memory_space<vmem>>, %arg7: memref<32x1024xf32, #tpu.memory_space<vmem>>, %arg8: memref<32x1024x1024xf32, #tpu.memory_space<hbm>>, %arg9: memref<32x1024xi32, #tpu.memory_space<vmem>>, %arg10: memref<32x1024xf32, #tpu.memory_space<vmem>>, %arg11: memref<!tpu.dma_semaphore, #tpu.memory_space<semaphore_mem>>) attributes {dimension_semantics = [], scalar_prefetch = 0 : i64, scratch_operands = 1 : i64, tpu.core_type = #tpu.core_type<tc>} {
    %get3A = arith.constant 0 : index
    %get3A_0 = memref.load %arg0[%get3A] : memref<1xi32, #tpu.memory_space<smem>>
    %get3A_1 = arith.constant 0 : index
    %get3A_2 = memref.load %arg1[%get3A_1] : memref<1xi32, #tpu.memory_space<smem>>
    %get3A_3 = arith.constant 0 : index
    %get3A_4 = memref.load %arg2[%get3A_3] : memref<1xf32, #tpu.memory_space<smem>>
    %get3A_5 = arith.index_cast %get3A_0 : i32 to index
    %get3A_6 = arith.constant 0 : index
    %get3A_7 = memref.load %arg3[%get3A_5, %get3A_6] : memref<32x16xi32, #tpu.memory_space<smem>>
    %iota3A = tpu.iota {dimensions = array<i32: 0>} : vector<32x1024xi32>
    %iota3A_8 = tpu.iota {dimensions = array<i32: 1>} : vector<32x1024xi32>
    %eq3A = vector.broadcast %get3A_0 : i32 to vector<32x1024xi32>
    %eq3A_9 = arith.cmpi eq, %iota3A, %eq3A : vector<32x1024xi32>
    %eq3A_10 = vector.broadcast %get3A_7 : i32 to vector<32x1024xi32>
    %eq3A_11 = arith.cmpi eq, %iota3A_8, %eq3A_10 : vector<32x1024xi32>
    %and3A = arith.andi %eq3A_9, %eq3A_11 : vector<32x1024xi1>
    %get3A_12 = arith.constant 0 : index
    %get3A_13 = arith.constant 0 : index
    %get3A_14 = vector.load %arg6[%get3A_12, %get3A_13] : memref<32x1024xi32, #tpu.memory_space<vmem>>, vector<32x1024xi32>
    %broadcast_in_dim3A = vector.broadcast %get3A_2 : i32 to vector<32x1024xi32>
    %select_n3A = arith.select %and3A, %broadcast_in_dim3A, %get3A_14 : vector<32x1024xi1>, vector<32x1024xi32>
    %swap3A = arith.constant 0 : index
    %swap3A_15 = arith.constant 0 : index
    %swap3A_16 = vector.load %arg9[%swap3A, %swap3A_15] : memref<32x1024xi32, #tpu.memory_space<vmem>>, vector<32x1024xi32>
    tpu.vector_store %arg9[%swap3A, %swap3A_15], %select_n3A {strides = array<i32>} : memref<32x1024xi32, #tpu.memory_space<vmem>>, vector<32x1024xi32>,
    %get3A_17 = arith.constant 0 : index
    %get3A_18 = arith.constant 0 : index
    %get3A_19 = vector.load %arg7[%get3A_17, %get3A_18] : memref<32x1024xf32, #tpu.memory_space<vmem>>, vector<32x1024xf32>
    %broadcast_in_dim3A_20 = vector.broadcast %get3A_4 : f32 to vector<32x1024xf32>
    %select_n3A_21 = arith.select %and3A, %broadcast_in_dim3A_20, %get3A_19 : vector<32x1024xi1>, vector<32x1024xf32>
    %swap3A_22 = arith.constant 0 : index
    %swap3A_23 = arith.constant 0 : index
    %swap3A_24 = vector.load %arg10[%swap3A_22, %swap3A_23] : memref<32x1024xf32, #tpu.memory_space<vmem>>, vector<32x1024xf32>
    tpu.vector_store %arg10[%swap3A_22, %swap3A_23], %select_n3A_21 {strides = array<i32>} : memref<32x1024xf32, #tpu.memory_space<vmem>>, vector<32x1024xf32>,
    %dma_start3A = arith.constant 0 : i32
    %dma_start3A_25 = arith.constant 0 : i32
    %dma_start3A_26 = tpu.memref_slice %arg8[%get3A_0, %get3A_7, %dma_start3A_25] : memref<32x1024x1024xf32, #tpu.memory_space<hbm>> -> memref<1x1x1024xf32, #tpu.memory_space<hbm>>
    %dma_start3A_27 = tpu.memref_squeeze %dma_start3A_26 : memref<1x1x1024xf32, #tpu.memory_space<hbm>> -> memref<1024xf32, #tpu.memory_space<hbm>>
    %dma_start3A_28 = arith.constant 0 : i32
    %dma_start3A_29 = tpu.memref_slice %arg4[%dma_start3A, %dma_start3A_28] : memref<1x1024xf32, #tpu.memory_space<vmem>> -> memref<1x1024xf32, #tpu.memory_space<vmem>>
    %dma_start3A_30 = tpu.memref_squeeze %dma_start3A_29 : memref<1x1024xf32, #tpu.memory_space<vmem>> -> memref<1024xf32, #tpu.memory_space<vmem>>
    tpu.enqueue_dma source(%dma_start3A_30 : memref<1024xf32, #tpu.memory_space<vmem>>) target(%dma_start3A_27 : memref<1024xf32, #tpu.memory_space<hbm>>) target_semaphore(%arg11 : memref<!tpu.dma_semaphore, #tpu.memory_space<semaphore_mem>>)
    %dma_wait3A = arith.constant 0 : i32
    %dma_wait3A_31 = arith.constant 0 : i32
    %dma_wait3A_32 = tpu.memref_slice %arg8[%get3A_0, %get3A_7, %dma_wait3A_31] : memref<32x1024x1024xf32, #tpu.memory_space<hbm>> -> memref<1x1x1024xf32, #tpu.memory_space<hbm>>
    %dma_wait3A_33 = tpu.memref_squeeze %dma_wait3A_32 : memref<1x1x1024xf32, #tpu.memory_space<hbm>> -> memref<1024xf32, #tpu.memory_space<hbm>>
    %dma_wait3A_34 = arith.constant 0 : i32
    %dma_wait3A_35 = tpu.memref_slice %arg4[%dma_wait3A, %dma_wait3A_34] : memref<1x1024xf32, #tpu.memory_space<vmem>> -> memref<1x1024xf32, #tpu.memory_space<vmem>>
    %dma_wait3A_36 = tpu.memref_squeeze %dma_wait3A_35 : memref<1x1024xf32, #tpu.memory_space<vmem>> -> memref<1024xf32, #tpu.memory_space<vmem>>
    tpu.wait_dma2 semaphore(%arg11 : memref<!tpu.dma_semaphore, #tpu.memory_space<semaphore_mem>>) src(%dma_wait3A_36 : memref<1024xf32, #tpu.memory_space<vmem>>) dst(%dma_wait3A_33 : memref<1024xf32, #tpu.memory_space<hbm>>)
    return
  }
}

</mosaic_0001>

<sc_bundles>
// kernel: kernel.4.cloned.1.call-start
scs
__scs_entry_jumppad:
0x0: {  	(pc) =	sbr.rel $0x88, $3  }
0x1: {  	(tag) =	ssettag $0x0;
	lr =	simm.s32 $0x1  }
0x2: {  	[smem:$0x3F9A] =	sst lr;
	_ =	strace $0xD0000000  }
0x3: {  	_ = 	snop  }
0x4: {  	_ = 	snop  }
0x5: {  	_ = 	snop  }
0x6: {  	_ = 	snop  }
0x7: {  	_ = 	snop  }
__scs_overlays_trampoline_lowered:
0x8: {  	[smem:$0x3FA9] =	sst s0  }
0x9: {  	[smem:$0x3FAA] =	sst s1  }
0xa: {  	[smem:$0x3FAB] =	sst s2  }
0xb: {  	[smem:$0x3FAC] =	sst s3  }
0xc: {  	[smem:$0x3FAD] =	sst s4  }
0xd: {  	[smem:$0x3FAE] =	sst s5  }
0xe: {  	[smem:$0x3FAF] =	sst s6  }
0xf: {  	[smem:$0x3FB0] =	sst s7  }
0x10: {  	[smem:$0x3FB1] =	sst s8  }
0x11: {  	[smem:$0x3FB2] =	sst s9;
	s0 =	simm.s32 @!p0 $0x0  }
0x12: {  	s1 =	sld [smem:$0x3F98];
	s0 =	simm.s32 @p0 $0x1  }
0x13: {  	[smem:$0x3FB3] =	sst s0;
	s0 =	simm.s32 @!p1 $0x0  }
0x14: {  	s2 =	sld [smem:$0x3F97];
	s0 =	simm.s32 @p1 $0x1  }
0x15: {  	[smem:$0x3FB4] =	sst s0;
	s0 =	simm.s32 @!p2 $0x0  }
0x16: {  	s3 =	sld [smem:$0x3FDB];
	s0 =	simm.s32 @p2 $0x1  }
0x17: {  	s4 =	simm.s32 $0x1BF5;
	[smem:$0x3FB6] =	sst s0  }
0x18: {  	s0 =	sld [smem:$0x3F99];
	_ =	swait.ge [sflag:s4], $0x0  }
0x19: {  	s7 =	sld [smem:$0x3F9A]  }
0x1a: {  	s8 =	sadd.s32 $0xFFFFE003, lr  }
0x1b: {  	s9 =	sadd.s32 $0xFFFFFEF7, lr;
	s5 =	simm.s32 $0xFFFFFFFF;
	p2 =	slt.u32 s8, $0xFFFFF086  }
0x1c: {  	p1 =	slt.u32 s9, $0xF7A;
	s5 =	simm.s32 @!p2 $0x0  }
0x1d: {  	s5 =	simm.s32 @p1 $0x1;
	p0 =	seq.s32 s7, s2  }
0x1e: {  	s7 =	smul.u32 @!p0 $0xF7A, s2;
	p2 =	seq.s32 @!p0 s5, $0x0  }
0x1f: {  	s9 =	smul.u32 $0xF7A, s1;
	s8 =	simm.s32 @!p0 $0x1BF5;
	p2 =	por !p2, p0  }
0x20: {  	[sflag:s8] =	ssyncset.s32 @!p0 $0xFFFFF086;
	s6 =	sadd.s32 @!p0 s3, s7;
	s7 =	simm.s32 @!p0 $0x108  }
0x21: {  	s3 =	sadd.s32 s3, s9;
	s6 =	sadd.s32 @!p0 $0x88, s6;
	s7 =	simm.s32 @p2 $0x1082  }
0x22: {  	[simem:s7], [sflag:s8] =	dma.local @!p0 [hbm:s6], $0xF7A  }
0x23: {  	s9 =	sor.u32 $0xD0000000, s2;
	s6 =	simm.s32 $0x108;
	_ =	swait.ge @!p0 [sflag:s8], $0x0  }
0x24: {  	s3 =	sadd.s32 $0x88, s3;
	s6 =	simm.s32 @!p1 $0x1082;
	[sflag:s4] =	ssyncset.s32 $0xFFFFF086  }
0x25: {  	[simem:s6], [sflag:s4] =	dma.local [hbm:s3], $0xF7A  }
0x26: {  	[smem:$0x3F9A] =	sst s1;
	(tag) =	ssettag s2;
	_ =	strace s9  }
0x27: {  	s1 =	sld [smem:$0x3FAA]  }
0x28: {  	s2 =	sld [smem:$0x3FAB]  }
0x29: {  	s4 =	sld [smem:$0x3FAD]  }
0x2a: {  	p0 =	seq.s32 s5, $0x0;
	s5 =	sld [smem:$0x3FAE]  }
0x2b: {  	s6 =	sld [smem:$0x3FAF]  }
0x2c: {  	s7 =	sld [smem:$0x3FB0]  }
0x2d: {  	s3 =	simm.s32 $0x108;
	s8 =	sld [smem:$0x3FB1]  }
0x2e: {  	s3 =	simm.s32 @!p0 $0x1082;
	s9 =	sld [smem:$0x3FB2]  }
0x2f: {  	lr =	sadd.s32 s0, s3;
	s0 =	sld [smem:$0x3FA9]  }
0x30: {  	s3 =	sld [smem:$0x3FAC]  }
0x31: {  	[smem:$0x3FB5] =	sst s10  }
0x32: {  	s10 =	sld [smem:$0x3FB3];
	_ =	sdelay $0x3  }
0x33: {  	p0 =	seq.s32 s10, $0x1;
	s10 =	sld [smem:$0x3FB5];
	_ =	sdelay $0x3  }
0x34: {  	[smem:$0x3FB5] =	sst s10  }
0x35: {  	s10 =	sld [smem:$0x3FB4];
	_ =	sdelay $0x3  }
0x36: {  	p1 =	seq.s32 s10, $0x1;
	s10 =	sld [smem:$0x3FB5];
	_ =	sdelay $0x3  }
0x37: {  	[smem:$0x3FB5] =	sst s10  }
0x38: {  	s10 =	sld [smem:$0x3FB6]  }
0x39: {  	_ = 	snop;
	(pc) =	sbr.ind lr, $3  }
0x3a: {  	_ = 	snop  }
0x3b: {  	_ = 	snop  }
0x3c: {  	p2 =	seq.s32 s10, $0x1;
	s10 =	sld [smem:$0x3FB5]  }
0x3d: {  	_ =	shalt  }
0x3e: {  	_ =	shalt  }
0x3f: {  	_ =	shalt  }
0x40: {  	_ =	shalt  }
0x41: {  	_ =	shalt  }
0x42: {  	_ =	shalt  }
0x43: {  	_ =	shalt  }
0x44: {  	_ =	shalt  }
0x45: {  	_ =	shalt  }
0x46: {  	_ =	shalt  }
0x47: {  	_ =	shalt  }
0x48: {  	_ =	shalt  }
0x49: {  	_ =	shalt  }
0x4a: {  	_ =	shalt  }
0x4b: {  	_ =	shalt  }
0x4c: {  	_ =	shalt  }
0x4d: {  	_ =	shalt  }
0x4e: {  	_ =	shalt  }
0x4f: {  	_ =	shalt  }
0x50: {  	_ =	shalt  }
0x51: {  	_ =	shalt  }
0x52: {  	_ =	shalt  }
0x53: {  	_ =	shalt  }
0x54: {  	_ =	shalt  }
0x55: {  	_ =	shalt  }
0x56: {  	_ =	shalt  }
0x57: {  	_ =	shalt  }
0x58: {  	_ =	shalt  }
0x59: {  	_ =	shalt  }
0x5a: {  	_ =	shalt  }
0x5b: {  	_ =	shalt  }
0x5c: {  	_ =	shalt  }
0x5d: {  	_ =	shalt  }
0x5e: {  	_ =	shalt  }
0x5f: {  	_ =	shalt  }
0x60: {  	_ =	shalt  }
0x61: {  	_ =	shalt  }
0x62: {  	_ =	shalt  }
0x63: {  	_ =	shalt  }
0x64: {  	_ =	shalt  }
0x65: {  	_ =	shalt  }
0x66: {  	_ =	shalt  }
0x67: {  	_ =	shalt  }
0x68: {  	_ =	shalt  }
0x69: {  	_ =	shalt  }
0x6a: {  	_ =	shalt  }
0x6b: {  	_ =	shalt  }
0x6c: {  	_ =	shalt  }
0x6d: {  	_ =	shalt  }
0x6e: {  	_ =	shalt  }
0x6f: {  	_ =	shalt  }
0x70: {  	_ =	shalt  }
0x71: {  	_ =	shalt  }
0x72: {  	_ =	shalt  }
0x73: {  	_ =	shalt  }
0x74: {  	_ =	shalt  }
0x75: {  	_ =	shalt  }
0x76: {  	_ =	shalt  }
0x77: {  	_ =	shalt  }
0x78: {  	_ =	shalt  }
0x79: {  	_ =	shalt  }
0x7a: {  	_ =	shalt  }
0x7b: {  	_ =	shalt  }
0x7c: {  	_ =	shalt  }
0x7d: {  	_ =	shalt  }
0x7e: {  	_ =	shalt  }
0x7f: {  	_ =	shalt  }
0x80: {  	_ =	shalt  }
0x81: {  	_ =	shalt  }
0x82: {  	_ =	shalt  }
0x83: {  	_ =	shalt  }
0x84: {  	_ =	shalt  }
0x85: {  	_ =	shalt  }
0x86: {  	_ =	shalt  }
0x87: {  	_ =	shalt  }
.Lfunc_end0:
.L_simem_size_0:
called_computation_lowered:
.L_overlay_start_0:
0x88: {  	s2 =	sld [smem:$0x3FD9]  }
0x89: {  	s3 =	sld [smem:$0x3FFE];
	_ =	sdelay $0x1  }
0x8a: {  	s1 =	srdreg.scid  }
0x8b: {  	s0 =	sand.u32 $0x1, s1  }
0x8c: {  	s15 =	sshll.u32 s0, $0xA;
	s2 =	sadd.s32 s3, s2  }
0x8d: {  	s2 =	sadd.s32 s2, s15  }
0x8e: {  	[smem:$0x3FC1] =	sst s2  }
0x8f: {  	_ = 	snop  }
0x90: {  	s2 =	sld [smem:$0x3FD0];
	_ =	sdelay $0x2  }
0x91: {  	s4 =	simm.s32 $0xA;
	s5 =	simm.s32 $0x10;
	s16 =	sld [smem:$0x3FC4]  }
0x92: {  	[smem:s5], [sflag:s4] =	dma.local [hbm:s2], $0x1  }
0x93: {  	_ =	swait.eq [sflag:s4], $0x1  }
0x94: {  	[sflag:s4] =	ssyncset.done $0x0  }
0x95: {  	[sflag:s4] =	ssyncadd.s32 $0xFFFFFFFF  }
0x96: {  	s17 =	sld [smem:$0x12];
	(tm) =	ssettm $0x1  }
0x97: {  	s18 =	sld [smem:$0x3FFB];
	_ =	sdelay $0x3  }
0x98: {  	_ =	strace s18  }
0x99: {  	s4 =	sld [smem:$0x3FFC];
	_ =	sdelay $0x3  }
0x9a: {  	_ =	strace s4  }
0x9b: {  	s4 =	sld [smem:$0x3FFD];
	_ =	sdelay $0x3  }
0x9c: {  	_ =	strace s4  }
0x9d: {  	_ =	strace $0x8FFFFFFF  }
0x9e: {  	s19 =	sld [smem:$0x3FDB];
	_ =	sdelay $0x1  }
0x9f: {  	s20 =	simm.s32 $_scs_section_size  }
0xa0: {  	s6 =	simm.s32 $_size__tile_overlayer_lowered;
	s7 =	simm.s32 $_tile_overlayer_lowered  }
0xa1: {  	s23 =	simm.s32 $0x1BFF;
	s22 =	sshll.u32 s7, $0x1;
	s4 =	sadd.s32 s20, s19  }
0xa2: {  	s8 =	simm.s32 $0x0;
	s21 =	sshll.u32 s6, $0x1;
	s6 =	sadd.s32 s22, s4  }
0xa3: {  	[timem:s8], [sflag:s23] =	dma.local [hbm:s6], s21  }
0xa4: {  	_ =	swait.ge [sflag:s23], s21  }
0xa5: {  	s5 =	ssub.s32 $0x0, s21;
	[sflag:s23] =	ssyncset.done $0x0  }
0xa6: {  	[sflag:s23] =	ssyncadd.s32 s5;
	_ =	sdelay $0x1  }
0xa7: {  	s24 =	simm.s32 $0x1B8B  }
0xa8: {  	_ =	swait.ge [sflag:s24], $0x1  }
0xa9: {  	[sflag:s24] =	ssyncset.done $0x0  }
0xaa: {  	s25 =	simm.s32 $0x1B8E;
	[sflag:s24] =	ssyncadd.s32 $0xFFFFFFFF  }
0xab: {  	s26 =	simm.s32 $execute0_lowered;
	[smem:$0x3FD2] =	sst s25  }
0xac: {  	s5 =	sshll.u32 s26, $0x1;
	_ =	strace $0x80000046;
	[dreg:$0x1] =	wrdreg $0xFFFFFFFF  }
0xad: {  	s28 =	simm.s32 $_size_execute0_lowered;
	s4 =	sadd.s32 s4, s5;
	[dreg:$0x0] =	wrdreg $0x0  }
0xae: {  	s5 =	sshll.u32 s28, $0x1;
	[dreg:$0x2] =	wrdreg s4  }
0xaf: {  	[dreg:$0x3] =	wrdreg s5  }
0xb0: {  	[dreg:$0x4] =	wrdreg $0xC0  }
0xb1: {  	_ =	task [dreg:s8], $0x5FFFF  }
0xb2: {  	[dreg:$0x1] =	wrdreg $0xFFFFFFFF  }
0xb3: {  	[dreg:$0x0] =	wrdreg $0x60  }
0xb4: {  	[dreg:$0x2] =	wrdreg s16  }
0xb5: {  	[dreg:$0x3] =	wrdreg s17  }
0xb6: {  	[dreg:$0x4] =	wrdreg $0x9  }
0xb7: {  	_ =	task.clear_ibuf [dreg:s8], $0x5FFFF;
	_ =	strace $0x90000046  }
0xb8: {  	s29 =	simm.s32 $0x9;
	_ =	strace $0x80000048  }
0xb9: {  	_ =	swait.ge [sflag:s29], $0x1  }
0xba: {  	[sflag:s29] =	ssyncadd.s32 $0xFFFFFFFF  }
0xbb: {  	_ =	strace $0x90000048  }
0xbc: {  	_ =	sfence  }
0xbd: {  	s30 =	sld [smem:$0x0];
	_ =	sdelay $0x2  }
0xbe: {  	s31 =	sshll.u32 s1, $0xD;
	s1 =	sshrl.u32 s1, $0x2  }
0xbf: {  	s3 =	sand.u32 $0x4000, s31;
	s1 =	sadd.s32 s1, s30  }
0xc0: {  	s0 =	sor.u32 s3, s0;
	s1 =	sshll.u32 s1, $0x11  }
0xc1: {  	s0 =	sor.u32 s1, s0  }
0xc2: {  	s0 =	sadd.s32 $0x8F2B, s0  }
0xc3: {  	[sflag:s0] =	ssyncadd.remote.s32 $0x1  }
0xc4: {  	_ =	sfence.sel $0xFFFF  }
0xc5: {  	[dreg:$0x0] =	wrdreg $0xFFFFFFFF;
	(pc) =	sbr.abs _section_cstart, $3  }
0xc6: {  	[dreg:$0x1] =	wrdreg $0xFFFFFFFF  }
0xc7: {  	_ =	task.clear_ibuf [dreg:s8], $0x2FFFF;
	_ =	strace $0x9FFFFFFF  }
0xc8: {  	(tm) =	ssettm $0x7FFFFFFF  }
0xc9: {  	_ =	shalt  }
tec
execute0_lowered:
.L_overlay_start_1:
0x0: {  	(tag) =	ssettag $0x1  }
0x1: {  	v0 =	vimm.f32 $1.500000000e+01;
	vm0 =	vcmask $0x300  }
0x2: {  	vm14 =	vcmask $0x704;
	v0 =	vsel vm0, $0x0, v0  }
0x3: {  	vm15 =	vcmask $0xB08;
	v0 =	vsel vm14, $0x3F800000, v0  }
0x4: {  	vm4 =	vcmask $0xF0C;
	v0 =	vsel vm15, $0x40000000, v0  }
0x5: {  	s3 =	rddreg [dreg:$0x0];
	vm5 =	vcmask $0x1310;
	v0 =	vsel vm4, $0x40400000, v0  }
0x6: {  	s4 =	rddreg [dreg:$0x1];
	vm6 =	vcmask $0x1714;
	v0 =	vsel vm5, $0x40800000, v0  }
0x7: {  	s0 =	rddreg [dreg:$0x2];
	vm7 =	vcmask $0x1B18;
	v0 =	vsel vm6, $0x40A00000, v0  }
0x8: {  	s2 =	simm.s32 $0x0;
	s5 =	srdreg.scid;
	s1 =	stileid.u32;
	vm8 =	vcmask $0x1F1C;
	v0 =	vsel vm7, $0x40C00000, v0  }
0x9: {  	vm9 =	vcmask $0x2320;
	[smem:$0x7FF] =	sst s2;
	s5 =	sand.u32 $0x1, s5;
	s6 =	sshll.u32 s1, $0x8;
	v0 =	vsel vm8, $0x40E00000, v0  }
0xa: {  	vm10 =	vcmask $0x2724;
	s7 =	sshrl.u32 s1, $0x2;
	s8 =	sshll.u32 s5, $0x7;
	s6 =	sand.u32 $0x300, s6;
	v0 =	vsel vm9, $0x41000000, v0  }
0xb: {  	vm11 =	vcmask $0x2B28;
	_ =	strace $0x80000047;
	s31 =	sshll.u32 s7, $0xD;
	s5 =	ssub.s32 $0x2, s5;
	v0 =	vsel vm10, $0x41100000, v0  }
0xc: {  	vm12 =	vcmask $0x2F2C;
	s7 =	sshll.u32 s7, $0xA;
	s6 =	sor.u32 s8, s6;
	s9 =	sshrl.u32 s5, $0x1;
	v0 =	vsel vm11, $0x41200000, v0  }
0xd: {  	vm13 =	vcmask $0x3330;
	s8 =	sor.u32 s31, s6;
	s6 =	sor.u32 s7, s6;
	s5 =	ssub.s32 s5, s9;
	v0 =	vsel vm12, $0x41300000, v0  }
0xe: {  	vm14 =	vcmask $0x3734;
	s7 =	simm.s32 $0x400;
	s9 =	simm.s32 $0x0;
	s8 =	sshrl.u32 s8, $0x3;
	v0 =	vsel vm13, $0x41400000, v0  }
0xf: {  	vm15 =	vcmask $0x3B38;
	s6 =	sshrl.u32 s6, $0x3;
	s5 =	smax.u32 s5, $0x1;
	s3 =	sadd.s32 s3, s8;
	v0 =	vsel vm14, $0x41500000, v0  }
0x10: {  	s4 =	sadd.s32 s4, s6;
	s6 =	simm.s32 $0x80;
	s8 =	simm.s32 $0x1;
	v0 =	vsel vm15, $0x41600000, v0  }
.LBB2_1:
0x11: {  	[tilespmem:s2], [sflag:$0x1] =	stream.strided.gather [hbm4b:s3+s6], $0x400, s7, s6, $0x38;
	[tilespmem:$0x480] =	vst v63  }
0x12: {  	_ =	swait.ge [sflag:s8], $0x400  }
0x13: {  	[sflag:s8] =	ssyncset.done $0x0  }
0x14: {  	[sflag:s8] =	ssyncadd.s32 $0xFFFFFC00  }
0x15: {  	v2 =	vld [tilespmem:s2+$0x0];
	_ =	sdelay $0x3  }
0x16: {  	v1 =	vimm.f32 $1.000000000e+09  }
0x17: {  	s10 =	simm.s32 $0x10;
	s12 =	scvt.s32.f32 s2;
	s11 =	simm.s32 $0x10;
	v3 =	vcvt.s32.f32 v2;
	vm0 =	veq.s32 v2, $0xFFFFFFFF;
	v2 =	vimm.f32 $1.000000000e+09  }
.LBB2_2:
0x18: {  	v4 =	vld [tilespmem:s11+$0x0];
	p0 =	sne.s32 s10, $0x3F0;
	s13 =	smov.u32 s10;
	s10 =	sadd.s32 $0x10, s10  }
.Ltmp0:
0x19: {  	v5 =	vadd.f32 s12, v0;
	v3 =	vmul.f32 $1.024000000e+03, v3;
	(pc) =	sbr.rel @p0 .LBB2_2-.Ltmp0, $4  }
0x1a: {  	_ = 	snop  }
0x1b: {  	v6 =	vadd.f32 v3, v5;
	v3 =	vnsel vm0, $0x4E6E6B28, v5  }
0x1c: {  	v1 =	vmin.f32 v1, v3  }
0x1d: {  	s11 =	sadd.s32 $0x10, s11;
	s12 =	scvt.s32.f32 s13;
	v3 =	vcvt.s32.f32 v4;
	vm0 =	veq.s32 v4, $0xFFFFFFFF;
	v2 =	vmin.f32 v2, v6  }
0x1e: {  	_ = 	snop  }
0x1f: {  	v4 =	vadd.f32 s12, v0;
	v3 =	vmul.f32 $1.024000000e+03, v3;
	_ =	sdelay $0x1  }
0x20: {  	v3 =	vadd.f32 v3, v4;
	_ =	sdelay $0x1  }
0x21: {  	v4 =	vnsel vm0, $0x4E6E6B28, v4;
	v2 =	vmin.f32 v2, v3  }
0x22: {  	v1 =	vmin.f32 v1, v4;
	(v2sf) =	vpush v2, $0x0  }
0x23: {  	(v2sf) =	vpush v1, $0x0  }
0x24: {  	(v2sf) =	vpush v2, $0x1  }
0x25: {  	(v2sf) =	vpush v1, $0x1  }
0x26: {  	(v2sf) =	vpush v2, $0x2  }
0x27: {  	(v2sf) =	vpush v1, $0x2  }
0x28: {  	(v2sf) =	vpush v2, $0x3  }
0x29: {  	(v2sf) =	vpush v1, $0x3  }
0x2a: {  	(v2sf) =	vpush v2, $0x4  }
0x2b: {  	(v2sf) =	vpush v1, $0x4  }
0x2c: {  	(v2sf) =	vpush v2, $0x5  }
0x2d: {  	(v2sf) =	vpush v1, $0x5  }
0x2e: {  	(v2sf) =	vpush v2, $0x6  }
0x2f: {  	(v2sf) =	vpush v1, $0x6  }
0x30: {  	(v2sf) =	vpush v2, $0x7  }
0x31: {  	s10 =	spop (v2sf);
	(v2sf) =	vpush v1, $0x7  }
0x32: {  	s11 =	spop (v2sf);
	(v2sf) =	vpush v2, $0x8  }
0x33: {  	s19 =	spop (v2sf);
	(v2sf) =	vpush v1, $0x8  }
0x34: {  	s10 =	smin.f32 s10, s19;
	s20 =	spop (v2sf);
	(v2sf) =	vpush v2, $0x9  }
0x35: {  	s11 =	smin.f32 s11, s20;
	s21 =	spop (v2sf);
	(v2sf) =	vpush v1, $0x9  }
0x36: {  	s10 =	smin.f32 s10, s21;
	s22 =	spop (v2sf);
	(v2sf) =	vpush v2, $0xA  }
0x37: {  	s11 =	smin.f32 s11, s22;
	s23 =	spop (v2sf);
	(v2sf) =	vpush v1, $0xA  }
0x38: {  	s10 =	smin.f32 s10, s23;
	s24 =	spop (v2sf);
	(v2sf) =	vpush v2, $0xB  }
0x39: {  	s11 =	smin.f32 s11, s24;
	s25 =	spop (v2sf);
	(v2sf) =	vpush v1, $0xB  }
0x3a: {  	s10 =	smin.f32 s10, s25;
	s26 =	spop (v2sf);
	(v2sf) =	vpush v2, $0xC  }
0x3b: {  	s11 =	smin.f32 s11, s26;
	s28 =	spop (v2sf);
	(v2sf) =	vpush v1, $0xC  }
0x3c: {  	s10 =	smin.f32 s10, s28;
	s29 =	spop (v2sf);
	(v2sf) =	vpush v2, $0xD  }
0x3d: {  	s11 =	smin.f32 s11, s29;
	s30 =	spop (v2sf);
	(v2sf) =	vpush v1, $0xD  }
0x3e: {  	s10 =	smin.f32 s10, s30;
	s31 =	spop (v2sf);
	(v2sf) =	vpush v2, $0xE  }
0x3f: {  	s11 =	smin.f32 s11, s31;
	s13 =	spop (v2sf);
	(v2sf) =	vpush v1, $0xE  }
0x40: {  	s10 =	smin.f32 s10, s13;
	s14 =	spop (v2sf);
	(v2sf) =	vpush v2, $0xF  }
0x41: {  	s11 =	smin.f32 s11, s14;
	s15 =	spop (v2sf);
	(v2sf) =	vpush v1, $0xF  }
0x42: {  	s10 =	smin.f32 s10, s15;
	s16 =	spop (v2sf)  }
0x43: {  	s11 =	smin.f32 s11, s16;
	s17 =	spop (v2sf)  }
0x44: {  	s10 =	smin.f32 s10, s17;
	s18 =	spop (v2sf)  }
0x45: {  	s11 =	smin.f32 s11, s18;
	s19 =	spop (v2sf)  }
0x46: {  	s10 =	smin.f32 s10, s19;
	s20 =	spop (v2sf)  }
0x47: {  	s11 =	smin.f32 s11, s20;
	s21 =	spop (v2sf)  }
0x48: {  	s10 =	smin.f32 s10, s21;
	s22 =	spop (v2sf)  }
0x49: {  	s11 =	smin.f32 s11, s22;
	s23 =	spop (v2sf)  }
0x4a: {  	s10 =	smin.f32 s10, s23;
	s24 =	spop (v2sf)  }
0x4b: {  	s11 =	smin.f32 s11, s24;
	s25 =	spop (v2sf)  }
0x4c: {  	s10 =	smin.f32 s10, s25;
	s26 =	spop (v2sf)  }
0x4d: {  	s11 =	smin.f32 s11, s26;
	s28 =	spop (v2sf)  }
0x4e: {  	s10 =	smin.f32 s10, s28;
	s29 =	spop (v2sf)  }
0x4f: {  	s11 =	smin.f32 s11, s29;
	s30 =	spop (v2sf)  }
0x50: {  	s10 =	smin.f32 s10, s30;
	s31 =	spop (v2sf)  }
0x51: {  	s11 =	smin.f32 s11, s31;
	s10 =	scvt.f32.s32 s10  }
0x52: {  	p0 =	slt.f32 s11, $1.000000000e+09;
	s11 =	scvt.f32.s32 s11  }
0x53: {  	s10 =	sand.u32 $0x3FF, s10  }
0x54: {  	s9 =	sadd.s32 $0x1, s9;
	s10 =	smov.u32 @p0 s11  }
0x55: {  	p0 =	sne.s32 s9, s5;
	v1 =	vmov s10  }
.Ltmp1:
0x56: {  	[tilespmem:$0x400] =	vst v1;
	(pc) =	sbr.rel @p0 .LBB2_1-.Ltmp1, $4  }
0x57: {  	[hbm4b:s4+s2] =	stream.linear.scatter [tilespmem:s7], [sflag:$0x1], $0x80, $0x38;
	[tilespmem:$0x480] =	vst v63  }
0x58: {  	_ =	swait.ge [sflag:s8], $0x80  }
0x59: {  	[sflag:s8] =	ssyncset.done $0x0  }
0x5a: {  	[sflag:s8] =	ssyncadd.s32 $0xFFFFFF80  }
0x5b: {  	_ =	sfence.sel $0x180000  }
0x5c: {  	[bflag:$0x0] =	sbarrier.arrive $0xFFFF  }
0x5d: {  	p0 =	sne.s32 s1, $0x0;
	_ =	strace $0x90000047  }
0x5e: {  	s0 =	sadd.s32 @!p0 $0x100000, s0;
	[bflag:$0x2] =	sbarrier.arrive $0xFFFF  }
0x5f: {  	[sflag:s0] =	ssyncadd.tile.s32 @!p0 $0x1;
	_ =	shalt  }
.Lfunc_end2:
_tile_overlayer_lowered:
.L_overlay_start_2:
0x60: {  	(tag) =	ssettag $0x2  }
0x61: {  	s0 =	rddreg [dreg:$0x0];
	s2 =	stileid.u32  }
0x62: {  	s1 =	rddreg [dreg:$0x1];
	p0 =	sne.s32 s2, $0x0  }
0x63: {  	s3 =	rddreg [dreg:$0x2];
	[bflag:$0x3] =	sbarrier.arrive $0xFFFF;
	s2 =	simm.s32 @!p0 $0x1C01  }
0x64: {  	[timem:s3], [sflag:s2] =	dma.local @!p0 [hbm:s0], s1  }
0x65: {  	s0 =	simm.s32 @!p0 $0x1  }
0x66: {  	_ =	swait.ge @!p0 [sflag:s0], s1  }
0x67: {  	s1 =	ssub.s32 @!p0 $0x0, s1;
	[sflag:s0] =	ssyncset.done @!p0 $0x0  }
0x68: {  	[sflag:s0] =	ssyncadd.s32 @!p0 s1  }
0x69: {  	[bflag:$0x3] =	sbarrier.arrive $0xFFFF  }
0x6a: {  	_ =	shalt  }

</sc_bundles>
